<compile_context>
chip_gen: v7x
topology: tpu7x:2x2x1
jax: 0.10.2.dev20260603
libtpu: 0.0.44.dev20260713+nightly
codegen_flags: <defaults>
</compile_context>

<pallas_src>
import functools

import jax
import jax.numpy as jnp
from jax.experimental import pallas as pl
from jax.experimental.pallas import tpu as pltpu

_NUM_BET_BINS = 32
_D = 128
_NUM_STREETS = 4
_OFFSET = 10
_PACKED_ROWS = 40


def _fused_kernel(tok_ref, act_ref, st_ref, x_ref, w_ref, b_ref, g_ref,
                  be_ref, t_ref, out_ref):
    h = jnp.dot(x_ref[...], w_ref[...], preferred_element_type=jnp.float32)
    h = h + b_ref[...]
    mu = jnp.mean(h, axis=-1, keepdims=True)
    d = h - mu
    var = jnp.mean(d * d, axis=-1, keepdims=True)
    hn = d * jax.lax.rsqrt(var + 1e-5) * g_ref[...] + be_ref[...]
    hr = jnp.maximum(hn, 0.0)

    tok = tok_ref[...]
    a = jnp.clip(act_ref[...], 0, 1)
    s = jnp.clip(st_ref[...], 0, _NUM_STREETS - 1)
    t = jnp.clip(tok - _OFFSET, 0, _NUM_BET_BINS - 1)

    lane = jax.lax.broadcasted_iota(jnp.int32, (tok.shape[0], _PACKED_ROWS), 1)
    sel = jnp.where(lane < 2, a,
                    jnp.where(lane < 6, s + 2,
                              jnp.where(lane < 38, t + 6, -1)))
    oh = jnp.where(sel == lane, 1.0, 0.0)
    emb = jnp.dot(oh, t_ref[...], preferred_element_type=jnp.float32)

    mask = (tok >= _OFFSET) & (tok < _OFFSET + _NUM_BET_BINS)
    out_ref[...] = jnp.where(mask, emb + hr, 0.0)


@functools.partial(jax.jit, static_argnames=())
def kernel(token_ids, action_actors, action_streets, action_legal_masks,
           actor_emb_w, street_emb_w, action_type_emb_w, mlp_w, mlp_b,
           ln_gamma, ln_beta):
    B, L = token_ids.shape
    N = B * L
    R = 2048
    num_blocks = pl.cdiv(N, R)

    tok = token_ids.astype(jnp.int32).reshape(N, 1)
    act = action_actors.astype(jnp.int32).reshape(N, 1)
    st = action_streets.astype(jnp.int32).reshape(N, 1)
    x = action_legal_masks.reshape(N, _NUM_BET_BINS)

    packed = jnp.concatenate([
        actor_emb_w, street_emb_w, action_type_emb_w,
        jnp.zeros((_PACKED_ROWS - 38, _D), jnp.float32)], axis=0)

    row_spec = lambda width: pl.BlockSpec((R, width), lambda i: (i, 0))
    full_spec = lambda shape: pl.BlockSpec(shape, lambda i: (0, 0))

    out = pl.pallas_call(
        _fused_kernel,
        grid=(num_blocks,),
        in_specs=[
            row_spec(1), row_spec(1), row_spec(1), row_spec(_NUM_BET_BINS),
            full_spec((_NUM_BET_BINS, _D)),
            full_spec((1, _D)), full_spec((1, _D)), full_spec((1, _D)),
            full_spec((_PACKED_ROWS, _D)),
        ],
        out_specs=row_spec(_D),
        out_shape=jax.ShapeDtypeStruct((N, _D), jnp.float32),
        compiler_params=pltpu.CompilerParams(
            dimension_semantics=("arbitrary",)),
    )(tok, act, st, x, mlp_w, mlp_b.reshape(1, _D),
      ln_gamma.reshape(1, _D), ln_beta.reshape(1, _D), packed)

    return out.reshape(B, L, _D)

# --- scband reference (transcript-rebuilt; emitter-appended) ---
"""Pipeline reference for scband-action-embedding-31971736551607 (READ-ONLY COPY).

The authoritative reference and input builder live on the scoring server;
editing this copy changes nothing except your own understanding.
"""

import jax, jax.numpy as jnp
import numpy as np

NUM_BET_BINS = 32
D_MODEL = 128
NUM_STREETS = 4  # len(TransformerStateEncoder.STREETS): preflop/flop/turn/river
ACTION_OFFSET = 10  # TransformerStateEncoder.get_action_token_offset(num_bet_bins)


def layer_norm(x, gamma, beta, eps=1e-5):
    m = jnp.mean(x, axis=-1, keepdims=True)
    v = jnp.var(x, axis=-1, keepdims=True)
    return (x - m) / jnp.sqrt(v + eps) * gamma + beta


def setup_inputs(seed: int = 0) -> dict:
    key = jax.random.key(seed)
    ks = jax.random.split(key, 11)
    B, L = 4096, 50
    token_ids = jax.random.randint(ks[0], (B, L), 0, 64, dtype=jnp.int64 if jax.config.jax_enable_x64 else jnp.int32)
    action_actors = jax.random.randint(ks[1], (B, L), 0, 2)
    action_streets = jax.random.randint(ks[2], (B, L), 0, NUM_STREETS)
    action_legal_masks = jax.random.uniform(ks[3], (B, L, NUM_BET_BINS), dtype=jnp.float32)
    actor_emb_w = jax.random.normal(ks[4], (2, D_MODEL), dtype=jnp.float32) * 0.02
    street_emb_w = jax.random.normal(ks[5], (NUM_STREETS, D_MODEL), dtype=jnp.float32) * 0.02
    action_type_emb_w = jax.random.normal(ks[6], (NUM_BET_BINS, D_MODEL), dtype=jnp.float32) * 0.02
    mlp_w = jax.random.normal(ks[7], (NUM_BET_BINS, D_MODEL), dtype=jnp.float32) * 0.05
    mlp_b = jnp.zeros((D_MODEL,), dtype=jnp.float32)
    ln_gamma = jnp.ones((D_MODEL,), dtype=jnp.float32)
    ln_beta = jnp.zeros((D_MODEL,), dtype=jnp.float32)
    return {
        'token_ids': token_ids,
        'action_actors': action_actors,
        'action_streets': action_streets,
        'action_legal_masks': action_legal_masks,
        'actor_emb_w': actor_emb_w,
        'street_emb_w': street_emb_w,
        'action_type_emb_w': action_type_emb_w,
        'mlp_w': mlp_w,
        'mlp_b': mlp_b,
        'ln_gamma': ln_gamma,
        'ln_beta': ln_beta,
    }


def reference(token_ids, action_actors, action_streets, action_legal_masks,
              actor_emb_w, street_emb_w, action_type_emb_w, mlp_w, mlp_b,
              ln_gamma, ln_beta):
    # action positions mask (replaces torch.where gather/scatter with dense masked compute)
    action_mask = (token_ids >= ACTION_OFFSET) & (token_ids < ACTION_OFFSET + NUM_BET_BINS)
    actors = jnp.clip(action_actors, 0, 1)
    streets = jnp.clip(action_streets, 0, NUM_STREETS - 1)
    action_ids = jnp.clip(token_ids - ACTION_OFFSET, 0, NUM_BET_BINS - 1)
    # legal_mask_mlp: Linear -> LayerNorm -> ReLU -> Dropout(eval: identity)
    h = action_legal_masks @ mlp_w + mlp_b
    h = layer_norm(h, ln_gamma, ln_beta)
    h = jnp.maximum(h, 0.0)
    # embedding gathers (SparseCore-mappable: jnp.take on tables)
    emb = (jnp.take(actor_emb_w, actors, axis=0)
           + jnp.take(street_emb_w, streets, axis=0)
           + jnp.take(action_type_emb_w, action_ids, axis=0)
           + h)
    # scatter-overwrite into zeros == masked select
    return jnp.where(action_mask[..., None], emb, jnp.zeros_like(emb))

if __name__ == "__main__":
    import jax
    _d = setup_inputs()
    print(jax.jit(kernel)(*tuple(_d.values())))

</pallas_src>

<mosaic_0001>
module attributes {stable_mosaic.version = 14 : i64} {
  func.func @_fused_kernel(%arg0: i32, %arg1: memref<2048x1xi32, #tpu.memory_space<vmem>>, %arg2: memref<2048x1xi32, #tpu.memory_space<vmem>>, %arg3: memref<2048x1xi32, #tpu.memory_space<vmem>>, %arg4: memref<2048x32xf32, #tpu.memory_space<vmem>>, %arg5: memref<32x128xf32, #tpu.memory_space<vmem>>, %arg6: memref<1x128xf32, #tpu.memory_space<vmem>>, %arg7: memref<1x128xf32, #tpu.memory_space<vmem>>, %arg8: memref<1x128xf32, #tpu.memory_space<vmem>>, %arg9: memref<40x128xf32, #tpu.memory_space<vmem>>, %arg10: memref<2048x128xf32, #tpu.memory_space<vmem>>) attributes {dimension_semantics = [#tpu.dimension_semantics<arbitrary>], iteration_bounds = array<i64: 100>, scalar_prefetch = 0 : i64, scratch_operands = 0 : i64, tpu.core_type = #tpu.core_type<tc>, window_params = [{transform_indices = @transform_0, window_bounds = array<i64: 2048, 1>}, {transform_indices = @transform_1, window_bounds = array<i64: 2048, 1>}, {transform_indices = @transform_2, window_bounds = array<i64: 2048, 1>}, {transform_indices = @transform_3, window_bounds = array<i64: 2048, 32>}, {pipeline_mode = #tpu.pipeline_mode<synchronous>, transform_indices = @transform_4, window_bounds = array<i64: 32, 128>}, {pipeline_mode = #tpu.pipeline_mode<synchronous>, transform_indices = @transform_5, window_bounds = array<i64: 1, 128>}, {pipeline_mode = #tpu.pipeline_mode<synchronous>, transform_indices = @transform_6, window_bounds = array<i64: 1, 128>}, {pipeline_mode = #tpu.pipeline_mode<synchronous>, transform_indices = @transform_7, window_bounds = array<i64: 1, 128>}, {pipeline_mode = #tpu.pipeline_mode<synchronous>, transform_indices = @transform_8, window_bounds = array<i64: 40, 128>}, {transform_indices = @transform_9, window_bounds = array<i64: 2048, 128>}]} {
    %get3A = arith.constant 0 : index
    %get3A_0 = arith.constant 0 : index
    %get3A_1 = vector.load %arg4[%get3A, %get3A_0] : memref<2048x32xf32, #tpu.memory_space<vmem>>, vector<2048x32xf32>
    %get3A_2 = arith.constant 0 : index
    %get3A_3 = arith.constant 0 : index
    %get3A_4 = vector.load %arg5[%get3A_2, %get3A_3] : memref<32x128xf32, #tpu.memory_space<vmem>>, vector<32x128xf32>
    %dot_general3A = arith.constant dense<0.000000e+00> : vector<2048x128xf32>
    %dot_general3A_5 = tpu.matmul %get3A_1, %get3A_4, %dot_general3A {dimension_numbers = #tpu.dot_dimension_numbers<[1], [0], [0], [1], [0, 0, 1, 1], [], []>, transpose_lhs_hint = false} : vector<2048x32xf32>, vector<32x128xf32>, vector<2048x128xf32> -> vector<2048x128xf32>
    %get3A_6 = arith.constant 0 : index
    %get3A_7 = arith.constant 0 : index
    %get3A_8 = vector.load %arg6[%get3A_6, %get3A_7] : memref<1x128xf32, #tpu.memory_space<vmem>>, vector<1x128xf32>
    %add3A = vector.broadcast %get3A_8 : vector<1x128xf32> to vector<2048x128xf32>
    %add3A_9 = arith.addf %dot_general3A_5, %add3A : vector<2048x128xf32>
    %reduce_sum3A = arith.constant dense<0.000000e+00> : vector<2048xf32>
    %reduce_sum3A_10 = vector.multi_reduction <add>, %add3A_9, %reduce_sum3A [1] : vector<2048x128xf32> to vector<2048xf32>
    %broadcast_in_dim3A = vector.shape_cast %reduce_sum3A_10 : vector<2048xf32> to vector<2048x1xf32>
    %div3A = arith.constant 1.280000e+02 : f32
    %div3A_11 = vector.broadcast %div3A : f32 to vector<2048x1xf32>
    %div3A_12 = arith.divf %broadcast_in_dim3A, %div3A_11 : vector<2048x1xf32>
    %sub3A = vector.broadcast %div3A_12 : vector<2048x1xf32> to vector<2048x128xf32>
    %sub3A_13 = arith.subf %add3A_9, %sub3A : vector<2048x128xf32>
    %mul3A = arith.mulf %sub3A_13, %sub3A_13 : vector<2048x128xf32>
    %reduce_sum3A_14 = arith.constant dense<0.000000e+00> : vector<2048xf32>
    %reduce_sum3A_15 = vector.multi_reduction <add>, %mul3A, %reduce_sum3A_14 [1] : vector<2048x128xf32> to vector<2048xf32>
    %broadcast_in_dim3A_16 = vector.shape_cast %reduce_sum3A_15 : vector<2048xf32> to vector<2048x1xf32>
    %div3A_17 = arith.constant 1.280000e+02 : f32
    %div3A_18 = vector.broadcast %div3A_17 : f32 to vector<2048x1xf32>
    %div3A_19 = arith.divf %broadcast_in_dim3A_16, %div3A_18 : vector<2048x1xf32>
    %add3A_20 = arith.constant 9.99999974E-6 : f32
    %add3A_21 = vector.broadcast %add3A_20 : f32 to vector<2048x1xf32>
    %add3A_22 = arith.addf %div3A_19, %add3A_21 : vector<2048x1xf32>
    %rsqrt3A = math.rsqrt %add3A_22 : vector<2048x1xf32>
    %mul3A_23 = vector.broadcast %rsqrt3A : vector<2048x1xf32> to vector<2048x128xf32>
    %mul3A_24 = arith.mulf %sub3A_13, %mul3A_23 : vector<2048x128xf32>
    %get3A_25 = arith.constant 0 : index
    %get3A_26 = arith.constant 0 : index
    %get3A_27 = vector.load %arg7[%get3A_25, %get3A_26] : memref<1x128xf32, #tpu.memory_space<vmem>>, vector<1x128xf32>
    %mul3A_28 = vector.broadcast %get3A_27 : vector<1x128xf32> to vector<2048x128xf32>
    %mul3A_29 = arith.mulf %mul3A_24, %mul3A_28 : vector<2048x128xf32>
    %get3A_30 = arith.constant 0 : index
    %get3A_31 = arith.constant 0 : index
    %get3A_32 = vector.load %arg8[%get3A_30, %get3A_31] : memref<1x128xf32, #tpu.memory_space<vmem>>, vector<1x128xf32>
    %add3A_33 = vector.broadcast %get3A_32 : vector<1x128xf32> to vector<2048x128xf32>
    %add3A_34 = arith.addf %mul3A_29, %add3A_33 : vector<2048x128xf32>
    %max3A = arith.constant 0.000000e+00 : f32
    %max3A_35 = vector.broadcast %max3A : f32 to vector<2048x128xf32>
    %max3A_36 = arith.maximumf %add3A_34, %max3A_35 : vector<2048x128xf32>
    %get3A_37 = arith.constant 0 : index
    %get3A_38 = arith.constant 0 : index
    %get3A_39 = vector.load %arg1[%get3A_37, %get3A_38] : memref<2048x1xi32, #tpu.memory_space<vmem>>, vector<2048x1xi32>
    %get3A_40 = arith.constant 0 : index
    %get3A_41 = arith.constant 0 : index
    %get3A_42 = vector.load %arg2[%get3A_40, %get3A_41] : memref<2048x1xi32, #tpu.memory_space<vmem>>, vector<2048x1xi32>
    %jit3A = arith.constant 0 : i32
    %jit3A_43 = arith.constant 1 : i32
    %max3A_44 = vector.broadcast %jit3A : i32 to vector<2048x1xi32>
    %max3A_45 = arith.maxsi %max3A_44, %get3A_42 : vector<2048x1xi32>
    %min3A = vector.broadcast %jit3A_43 : i32 to vector<2048x1xi32>
    %min3A_46 = arith.minsi %min3A, %max3A_45 : vector<2048x1xi32>
    %get3A_47 = arith.constant 0 : index
    %get3A_48 = arith.constant 0 : index
    %get3A_49 = vector.load %arg3[%get3A_47, %get3A_48] : memref<2048x1xi32, #tpu.memory_space<vmem>>, vector<2048x1xi32>
    %jit3A_50 = arith.constant 0 : i32
    %jit3A_51 = arith.constant 3 : i32
    %max3A_52 = vector.broadcast %jit3A_50 : i32 to vector<2048x1xi32>
    %max3A_53 = arith.maxsi %max3A_52, %get3A_49 : vector<2048x1xi32>
    %min3A_54 = vector.broadcast %jit3A_51 : i32 to vector<2048x1xi32>
    %min3A_55 = arith.minsi %min3A_54, %max3A_53 : vector<2048x1xi32>
    %sub3A_56 = arith.constant 10 : i32
    %sub3A_57 = vector.broadcast %sub3A_56 : i32 to vector<2048x1xi32>
    %sub3A_58 = arith.subi %get3A_39, %sub3A_57 : vector<2048x1xi32>
    %jit3A_59 = arith.constant 0 : i32
    %jit3A_60 = arith.constant 31 : i32
    %max3A_61 = vector.broadcast %jit3A_59 : i32 to vector<2048x1xi32>
    %max3A_62 = arith.maxsi %max3A_61, %sub3A_58 : vector<2048x1xi32>
    %min3A_63 = vector.broadcast %jit3A_60 : i32 to vector<2048x1xi32>
    %min3A_64 = arith.minsi %min3A_63, %max3A_62 : vector<2048x1xi32>
    %iota3A = tpu.iota {dimensions = array<i32: 1>} : vector<2048x40xi32>
    %lt3A = arith.constant 2 : i32
    %lt3A_65 = vector.broadcast %lt3A : i32 to vector<2048x40xi32>
    %lt3A_66 = arith.cmpi slt, %iota3A, %lt3A_65 : vector<2048x40xi32>
    %lt3A_67 = arith.constant 6 : i32
    %lt3A_68 = vector.broadcast %lt3A_67 : i32 to vector<2048x40xi32>
    %lt3A_69 = arith.cmpi slt, %iota3A, %lt3A_68 : vector<2048x40xi32>
    %add3A_70 = arith.constant 2 : i32
    %add3A_71 = vector.broadcast %add3A_70 : i32 to vector<2048x1xi32>
    %add3A_72 = arith.addi %min3A_55, %add3A_71 : vector<2048x1xi32>
    %lt3A_73 = arith.constant 38 : i32
    %lt3A_74 = vector.broadcast %lt3A_73 : i32 to vector<2048x40xi32>
    %lt3A_75 = arith.cmpi slt, %iota3A, %lt3A_74 : vector<2048x40xi32>
    %add3A_76 = arith.constant 6 : i32
    %add3A_77 = vector.broadcast %add3A_76 : i32 to vector<2048x1xi32>
    %add3A_78 = arith.addi %min3A_64, %add3A_77 : vector<2048x1xi32>
    %jit3A_79 = arith.constant -1 : i32
    %broadcast_in_dim3A_80 = vector.shape_cast %add3A_78 : vector<2048x1xi32> to vector<2048x1xi32>
    %broadcast_in_dim3A_81 = vector.broadcast %broadcast_in_dim3A_80 : vector<2048x1xi32> to vector<2048x40xi32>
    %broadcast_in_dim3A_82 = vector.broadcast %jit3A_79 : i32 to vector<2048x40xi32>
    %select_n3A = arith.select %lt3A_75, %broadcast_in_dim3A_81, %broadcast_in_dim3A_82 : vector<2048x40xi1>, vector<2048x40xi32>
    %broadcast_in_dim3A_83 = vector.shape_cast %add3A_72 : vector<2048x1xi32> to vector<2048x1xi32>
    %broadcast_in_dim3A_84 = vector.broadcast %broadcast_in_dim3A_83 : vector<2048x1xi32> to vector<2048x40xi32>
    %select_n3A_85 = arith.select %lt3A_69, %broadcast_in_dim3A_84, %select_n3A : vector<2048x40xi1>, vector<2048x40xi32>
    %broadcast_in_dim3A_86 = vector.shape_cast %min3A_46 : vector<2048x1xi32> to vector<2048x1xi32>
    %broadcast_in_dim3A_87 = vector.broadcast %broadcast_in_dim3A_86 : vector<2048x1xi32> to vector<2048x40xi32>
    %select_n3A_88 = arith.select %lt3A_66, %broadcast_in_dim3A_87, %select_n3A_85 : vector<2048x40xi1>, vector<2048x40xi32>
    %eq3A = arith.cmpi eq, %select_n3A_88, %iota3A : vector<2048x40xi32>
    %jit3A_89 = arith.constant 1.000000e+00 : f32
    %jit3A_90 = arith.constant 0.000000e+00 : f32
    %broadcast_in_dim3A_91 = vector.broadcast %jit3A_89 : f32 to vector<2048x40xf32>
    %broadcast_in_dim3A_92 = vector.broadcast %jit3A_90 : f32 to vector<2048x40xf32>
    %select_n3A_93 = arith.select %eq3A, %broadcast_in_dim3A_91, %broadcast_in_dim3A_92 : vector<2048x40xi1>, vector<2048x40xf32>
    %get3A_94 = arith.constant 0 : index
    %get3A_95 = arith.constant 0 : index
    %get3A_96 = vector.load %arg9[%get3A_94, %get3A_95] : memref<40x128xf32, #tpu.memory_space<vmem>>, vector<40x128xf32>
    %dot_general3A_97 = arith.constant dense<0.000000e+00> : vector<2048x128xf32>
    %dot_general3A_98 = tpu.matmul %select_n3A_93, %get3A_96, %dot_general3A_97 {dimension_numbers = #tpu.dot_dimension_numbers<[1], [0], [0], [1], [0, 0, 1, 1], [], []>, transpose_lhs_hint = false} : vector<2048x40xf32>, vector<40x128xf32>, vector<2048x128xf32> -> vector<2048x128xf32>
    %ge3A = arith.constant 10 : i32
    %ge3A_99 = vector.broadcast %ge3A : i32 to vector<2048x1xi32>
    %ge3A_100 = arith.cmpi sge, %get3A_39, %ge3A_99 : vector<2048x1xi32>
    %lt3A_101 = arith.constant 42 : i32
    %lt3A_102 = vector.broadcast %lt3A_101 : i32 to vector<2048x1xi32>
    %lt3A_103 = arith.cmpi slt, %get3A_39, %lt3A_102 : vector<2048x1xi32>
    %and3A = arith.andi %ge3A_100, %lt3A_103 : vector<2048x1xi1>
    %add3A_104 = arith.addf %dot_general3A_98, %max3A_36 : vector<2048x128xf32>
    %jit3A_105 = arith.constant 0.000000e+00 : f32
    %broadcast_in_dim3A_106 = vector.shape_cast %and3A : vector<2048x1xi1> to vector<2048x1xi1>
    %broadcast_in_dim3A_107 = vector.broadcast %broadcast_in_dim3A_106 : vector<2048x1xi1> to vector<2048x128xi1>
    %broadcast_in_dim3A_108 = vector.broadcast %jit3A_105 : f32 to vector<2048x128xf32>
    %select_n3A_109 = arith.select %broadcast_in_dim3A_107, %add3A_104, %broadcast_in_dim3A_108 : vector<2048x128xi1>, vector<2048x128xf32>
    %swap3A = arith.constant 0 : index
    %swap3A_110 = arith.constant 0 : index
    %swap3A_111 = vector.load %arg10[%swap3A, %swap3A_110] : memref<2048x128xf32, #tpu.memory_space<vmem>>, vector<2048x128xf32>
    tpu.vector_store %arg10[%swap3A, %swap3A_110], %select_n3A_109 {strides = array<i32>} : memref<2048x128xf32, #tpu.memory_space<vmem>>, vector<2048x128xf32>,
    return
  }
  func.func @transform_0(%arg0: i32) -> (i32, i32) {
    %c0_i32 = arith.constant 0 : i32
    %c0_i32_0 = arith.constant 0 : i32
    return %arg0, %c0_i32 : i32, i32
  }
  func.func @transform_1(%arg0: i32) -> (i32, i32) {
    %c0_i32 = arith.constant 0 : i32
    %c0_i32_0 = arith.constant 0 : i32
    return %arg0, %c0_i32 : i32, i32
  }
  func.func @transform_2(%arg0: i32) -> (i32, i32) {
    %c0_i32 = arith.constant 0 : i32
    %c0_i32_0 = arith.constant 0 : i32
    return %arg0, %c0_i32 : i32, i32
  }
  func.func @transform_3(%arg0: i32) -> (i32, i32) {
    %c0_i32 = arith.constant 0 : i32
    %c0_i32_0 = arith.constant 0 : i32
    return %arg0, %c0_i32 : i32, i32
  }
  func.func @transform_4(%arg0: i32) -> (i32, i32) {
    %c0_i32 = arith.constant 0 : i32
    %c0_i32_0 = arith.constant 0 : i32
    %c0_i32_1 = arith.constant 0 : i32
    return %c0_i32, %c0_i32_0 : i32, i32
  }
  func.func @transform_5(%arg0: i32) -> (i32, i32) {
    %c0_i32 = arith.constant 0 : i32
    %c0_i32_0 = arith.constant 0 : i32
    %c0_i32_1 = arith.constant 0 : i32
    return %c0_i32, %c0_i32_0 : i32, i32
  }
  func.func @transform_6(%arg0: i32) -> (i32, i32) {
    %c0_i32 = arith.constant 0 : i32
    %c0_i32_0 = arith.constant 0 : i32
    %c0_i32_1 = arith.constant 0 : i32
    return %c0_i32, %c0_i32_0 : i32, i32
  }
  func.func @transform_7(%arg0: i32) -> (i32, i32) {
    %c0_i32 = arith.constant 0 : i32
    %c0_i32_0 = arith.constant 0 : i32
    %c0_i32_1 = arith.constant 0 : i32
    return %c0_i32, %c0_i32_0 : i32, i32
  }
  func.func @transform_8(%arg0: i32) -> (i32, i32) {
    %c0_i32 = arith.constant 0 : i32
    %c0_i32_0 = arith.constant 0 : i32
    %c0_i32_1 = arith.constant 0 : i32
    return %c0_i32, %c0_i32_0 : i32, i32
  }
  func.func @transform_9(%arg0: i32) -> (i32, i32) {
    %c0_i32 = arith.constant 0 : i32
    %c0_i32_0 = arith.constant 0 : i32
    return %arg0, %c0_i32 : i32, i32
  }
}

</mosaic_0001>

<sc_bundles>
// kernel: sparse-core-data-format-call.cloned.1.call-start
scs
called_computation_lowered:
.L_overlay_start_0:
0x0: {  	s2 =	sld [smem:$0x3FD9]  }
0x1: {  	s3 =	sld [smem:$0x3FFE];
	_ =	sdelay $0x1  }
0x2: {  	s1 =	srdreg.scid  }
0x3: {  	s0 =	sand.u32 $0x1, s1  }
0x4: {  	s18 =	sshll.u32 s0, $0xA;
	s2 =	sadd.s32 s3, s2  }
0x5: {  	s2 =	sadd.s32 s2, s18  }
0x6: {  	[smem:$0x3FBD] =	sst s2  }
0x7: {  	_ = 	snop  }
0x8: {  	s2 =	sld [smem:$0x3FD0];
	(tm) =	ssettm $0x1  }
0x9: {  	s19 =	sld [smem:$0x3FFB];
	_ =	sdelay $0x3  }
0xa: {  	_ =	strace s19  }
0xb: {  	s3 =	sld [smem:$0x3FFC];
	_ =	sdelay $0x3  }
0xc: {  	_ =	strace s3  }
0xd: {  	s3 =	sld [smem:$0x3FFD];
	_ =	sdelay $0x3  }
0xe: {  	_ =	strace s3  }
0xf: {  	_ =	strace $0x8FFFFFFF  }
0x10: {  	s20 =	sld [smem:$0x3FDB];
	_ =	sdelay $0x1  }
0x11: {  	s4 =	simm.s32 $_scs_section_size  }
0x12: {  	s5 =	simm.s32 $_size__tile_overlayer_lowered;
	s6 =	simm.s32 $_tile_overlayer_lowered  }
0x13: {  	s23 =	simm.s32 $0x1BFF;
	s22 =	sshll.u32 s6, $0x1;
	s3 =	sadd.s32 s4, s20  }
0x14: {  	s7 =	simm.s32 $0x0;
	s21 =	sshll.u32 s5, $0x1;
	s5 =	sadd.s32 s22, s3  }
0x15: {  	[timem:s7], [sflag:s23] =	dma.local [hbm:s5], s21  }
0x16: {  	_ =	swait.ge [sflag:s23], s21  }
0x17: {  	s4 =	ssub.s32 $0x0, s21;
	[sflag:s23] =	ssyncset.done $0x0  }
0x18: {  	[sflag:s23] =	ssyncadd.s32 s4;
	_ =	sdelay $0x1  }
0x19: {  	s24 =	simm.s32 $0x1B8B  }
0x1a: {  	_ =	swait.ge [sflag:s24], $0x1  }
0x1b: {  	[sflag:s24] =	ssyncset.done $0x0  }
0x1c: {  	s26 =	simm.s32 $0x1B8E;
	s25 =	sld [smem:$0x3FFE];
	[sflag:s24] =	ssyncadd.s32 $0xFFFFFFFF  }
0x1d: {  	s27 =	simm.s32 $execute0_lowered;
	[smem:$0x3FD2] =	sst s26  }
0x1e: {  	s5 =	sshll.u32 s27, $0x1;
	_ =	strace $0x80000046;
	[dreg:$0x1] =	wrdreg $0xFFFFFFFF  }
0x1f: {  	s28 =	simm.s32 $_size_execute0_lowered;
	s3 =	sadd.s32 s3, s5;
	[dreg:$0x0] =	wrdreg $0x0  }
0x20: {  	s5 =	sshll.u32 s28, $0x1;
	[dreg:$0x2] =	wrdreg s3  }
0x21: {  	[dreg:$0x3] =	wrdreg s5  }
0x22: {  	[dreg:$0x4] =	wrdreg $0xC0  }
0x23: {  	_ =	task [dreg:s7], $0x5FFFF  }
0x24: {  	[dreg:$0x1] =	wrdreg $0xFFFFFFFF  }
0x25: {  	[dreg:$0x0] =	wrdreg $0x60  }
0x26: {  	[dreg:$0x2] =	wrdreg s25  }
0x27: {  	[dreg:$0x3] =	wrdreg s2  }
0x28: {  	[dreg:$0x4] =	wrdreg $0x9  }
0x29: {  	_ =	task.clear_ibuf [dreg:s7], $0x5FFFF;
	_ =	strace $0x90000046  }
0x2a: {  	s29 =	simm.s32 $0x9;
	_ =	strace $0x80000048  }
0x2b: {  	_ =	swait.ge [sflag:s29], $0x1  }
0x2c: {  	[sflag:s29] =	ssyncadd.s32 $0xFFFFFFFF  }
0x2d: {  	_ =	strace $0x90000048  }
0x2e: {  	_ =	sfence  }
0x2f: {  	s30 =	sld [smem:$0x0];
	_ =	sdelay $0x2  }
0x30: {  	s31 =	sshll.u32 s1, $0xD;
	s1 =	sshrl.u32 s1, $0x2  }
0x31: {  	s3 =	sand.u32 $0x4000, s31;
	s1 =	sadd.s32 s1, s30  }
0x32: {  	s0 =	sor.u32 s3, s0;
	s1 =	sshll.u32 s1, $0x11  }
0x33: {  	s0 =	sor.u32 s1, s0  }
0x34: {  	s0 =	sadd.s32 $0x8F2B, s0  }
0x35: {  	[sflag:s0] =	ssyncadd.remote.s32 $0x1  }
0x36: {  	_ =	sfence.sel $0xFFFF  }
0x37: {  	[dreg:$0x0] =	wrdreg $0xFFFFFFFF;
	(pc) =	sbr.abs _section_cstart, $3  }
0x38: {  	[dreg:$0x1] =	wrdreg $0xFFFFFFFF  }
0x39: {  	_ =	task.clear_ibuf [dreg:s7], $0x2FFFF;
	_ =	strace $0x9FFFFFFF  }
0x3a: {  	(tm) =	ssettm $0x7FFFFFFF  }
0x3b: {  	_ =	shalt  }
tec
execute0_lowered:
.L_overlay_start_1:
0x0: {  	(tag) =	ssettag $0x1  }
0x1: {  	s0 =	srdreg.scid  }
0x2: {  	s1 =	sshll.u32 s0, $0x4  }
0x3: {  	s0 =	stileid.u32;
	s1 =	sand.u32 $0x10, s1  }
0x4: {  	s1 =	sor.u32 s0, s1  }
0x5: {  	s6 =	rddreg [dreg:$0x0];
	s4 =	simm.s32 $0x1;
	s2 =	sshll.u32 s1, $0x6  }
0x6: {  	s7 =	simm.s32 $0x2;
	s13 =	simm.s32 $0x0;
	s1 =	ssub.s32 $0x1000, s2  }
0x7: {  	s8 =	simm.s32 $0x2000;
	s9 =	simm.s32 $0x80000;
	s3 =	sand.u32 $0x7C0, s1  }
0x8: {  	s14 =	simm.s32 $0x0;
	s5 =	sshrl.u32 s1, $0xB;
	p0 =	sne.s32 s3, $0x0  }
.Ltmp0:
0x9: {  	s1 =	rddreg [dreg:$0x2];
	s4 =	simm.s32 @!p0 $0x0;
	(pc) =	sbr.rel .LBB1_1-.Ltmp0, $4  }
0xa: {  	s10 =	simm.s32 $0x0;
	s3 =	rddreg [dreg:$0x1];
	s5 =	sadd.s32 s4, s5  }
0xb: {  	_ =	strace $0x80000047;
	s4 =	simm.s32 $0x1;
	s5 =	smul.u32 $0x19, s5  }
0xc: {  	s12 =	simm.s32 $0x0;
	s6 =	sadd.s32 $0x1400, s6;
	[sflag:s4] =	ssyncpa.u1 $0x0  }
0xd: {  	s11 =	smov.u32 s2;
	[sflag:s7] =	ssyncpa.u1 $0x0;
	s7 =	sadd.s32 $0x1, s5  }
.LBB1_7:
0xe: {  	s15 =	sadd.s32 $0x2, s10  }
0xf: {  	s13 =	sadd.s32 $0x800, s11;
	s17 =	smov.u32 s11;
	p1 =	sgt.s32 s15, $0x31  }
0x10: {  	s17 =	smov.u32 @p1 s13  }
0x11: {  	s15 =	simm.s32 @p1 $0x0;
	p1 =	sgt.s32 s17, $0xFFF  }
0x12: {  	s17 =	smov.u32 @p1 s2;
	p1 =	sne.s32 s12, s7  }
.Ltmp1:
0x13: {  	p0 =	slt.u32 s12, $0x2;
	(pc) =	sbr.rel @!p1 .LBB1_8-.Ltmp1, $4  }
0x14: {  	s16 =	simm.s32 @!p0 $0x2  }
0x15: {  	s14 =	smov.u32 s11;
	_ =	swait.ge @!p0 [sflag:s16], $0x4000  }
0x16: {  	s13 =	smov.u32 s10;
	[sflag:s16] =	ssyncset.done @!p0 $0x0;
	s10 =	smov.u32 s15  }
0x17: {  	s12 =	sadd.s32 $0x1, s12;
	[sflag:s16] =	ssyncadd.s32 @!p0 $0xFFFFC000;
	s11 =	smov.u32 s17  }
.LBB1_1:
0x18: {  	p0 =	sge.u32 s12, s5  }
0x19: {  	s15 =	sand.u32 @!p0 $0x1FFFFFF, s10  }
0x1a: {  	s16 =	smulhi.u32 @!p0 $0x4924925, s15;
	_ =	sdelay $0x1  }
0x1b: {  	s16 =	smul.u32 @!p0 $0x38, s16  }
0x1c: {  	s17 =	sxor.u32 @!p0 $0xFFFFFFFF, s12;
	s18 =	smul.u32 @!p0 $0x380, s11  }
0x1d: {  	s31 =	sadd.s32 $0xFFFFFFFF, s12;
	s17 =	sshll.u32 @!p0 s17, $0xE;
	s15 =	ssub.s32 @!p0 s15, s16  }
0x1e: {  	s16 =	sand.u32 @!p0 $0x4000, s17;
	s17 =	sadd.s32 @!p0 s6, s18;
	s15 =	sshll.u32 @!p0 s15, $0x4  }
0x1f: {  	s18 =	simm.s32 @!p0 $0x1C00;
	s15 =	sadd.s32 @!p0 s15, s17;
	s17 =	simm.s32 @!p0 $0x100  }
0x20: {  	[tilespmem:s16], [sflag:$0x1] =	stream.strided.gather @!p0 [hbm4b:s15+s17], $0x4000, s18, s17, $0x38;
	[tilespmem:$0x10000] =	vst v63  }
0x21: {  	p0 =	sge.u32 s31, s5  }
.Ltmp2:
0x22: {  	_ = 	snop;
	(pc) =	sbr.rel @p0 .LBB1_7-.Ltmp2, $1  }
0x23: {  	_ =	sdelay $0x3  }
0x24: {  	_ =	swait.ge [sflag:s4], $0x4000;
	s15 =	sshll.u32 s12, $0xE  }
0x25: {  	[sflag:s4] =	ssyncset.done $0x0;
	s16 =	sand.u32 $0x4000, s15  }
0x26: {  	s17 =	simm.s32 $0x0;
	[sflag:s4] =	ssyncadd.s32 $0xFFFFC000;
	s15 =	sor.u32 $0x8000, s16  }
.LBB1_3:
0x27: {  	s18 =	sshll.u32 s17, $0x8  }
0x28: {  	s18 =	sand.u32 $0x3FFFFF00, s18  }
0x29: {  	s19 =	sshll.u32 s17, $0x7;
	s18 =	sadd.s32 s18, s16  }
0x2a: {  	s19 =	sand.u32 $0x3FFFFF80, s19;
	v0 =	vmov s18  }
0x2b: {  	s19 =	sadd.s32 s19, s15  }
0x2c: {  	p0 =	por $0x1, $0x1;
	v1 =	vmov s19;
	s18 =	simm.s32 $0x0  }
.LBB1_4:
0x2d: {  	s19 =	sshll.u32 s18, $0x7  }
0x2e: {  	s19 =	sand.u32 $0x3FFFFF80, s19  }
0x2f: {  	v2 =	vld.idx.msk [tilespmem:v0+s19+$0x0 ss:$0x1], $0xffff  }
0x30: {  	v3 =	vld.idx.msk [tilespmem:v0+s19+$0x10 ss:$0x1], $0xffff  }
0x31: {  	v4 =	vld.idx.msk [tilespmem:v0+s19+$0x20 ss:$0x1], $0xffff  }
0x32: {  	s31 =	sshll.u32 s18, $0xD;
	v5 =	vld.idx.msk [tilespmem:v0+s19+$0x30 ss:$0x1], $0xffff  }
0x33: {  	s18 =	sand.u32 $0x3FFFE000, s31;
	v6 =	vld.idx.msk [tilespmem:v0+s19+$0x40 ss:$0x1], $0xffff  }
0x34: {  	v63 =	vld.idx.msk [tilespmem:v0+s19+$0x70 ss:$0x1], $0xffff;
	[tilespmem:v1+s18+$0x0 ss:$0x1] =	vst.idx.msk $0xffff, v2  }
0x35: {  	v2 =	vld.idx.msk [tilespmem:v0+s19+$0x50 ss:$0x1], $0xffff;
	[tilespmem:v1+s18+$0x10 ss:$0x1] =	vst.idx.msk $0xffff, v3  }
0x36: {  	p1 =	por p0, p0;
	v3 =	vld.idx.msk [tilespmem:v0+s19+$0x60 ss:$0x1], $0xffff;
	[tilespmem:v1+s18+$0x20 ss:$0x1] =	vst.idx.msk $0xffff, v4  }
.Ltmp3:
0x37: {  	[tilespmem:v1+s18+$0x30 ss:$0x1] =	vst.idx.msk $0xffff, v5;
	(pc) =	sbr.rel @p1 .LBB1_4-.Ltmp3, $4  }
0x38: {  	[tilespmem:v1+s18+$0x40 ss:$0x1] =	vst.idx.msk $0xffff, v6  }
0x39: {  	[tilespmem:v1+s18+$0x70 ss:$0x1] =	vst.idx.msk $0xffff, v63  }
0x3a: {  	[tilespmem:v1+s18+$0x50 ss:$0x1] =	vst.idx.msk $0xffff, v2  }
0x3b: {  	p0 =	por $0x0, $0x0;
	[tilespmem:v1+s18+$0x60 ss:$0x1] =	vst.idx.msk $0xffff, v3;
	s18 =	simm.s32 $0x1  }
0x3c: {  	s17 =	sadd.s32 $0x1, s17  }
0x3d: {  	p0 =	sne.s32 s17, $0x40  }
.Ltmp4:
0x3e: {  	_ = 	snop;
	(pc) =	sbr.rel @p0 .LBB1_3-.Ltmp4, $1  }
0x3f: {  	_ =	sdelay $0x3  }
.Ltmp5:
0x40: {  	s14 =	sshll.u32 s14, $0x4;
	(pc) =	sbr.rel .LBB1_7-.Ltmp5, $4  }
0x41: {  	s14 =	sand.u32 $0xFFF0, s14  }
0x42: {  	s13 =	sshll.u32 s13, $0x10;
	s14 =	sadd.s32 s3, s14  }
0x43: {  	s13 =	sadd.s32 s13, s14  }
0x44: {  	[hbm4b:s13+s8] =	stream.strided.scatter [tilespmem:s15], [sflag:$0x2], $0x4000, s9, s8, $0x38;
	[tilespmem:$0x10000] =	vst v63  }
.LBB1_8:
0x45: {  	_ =	sfence.sel $0x180000  }
0x46: {  	s2 =	simm.s32 $0x1;
	[bflag:$0x0] =	sbarrier.arrive $0xFFFF  }
0x47: {  	s31 =	simm.s32 $0x2;
	[sflag:s2] =	ssyncpa.u1 $0x1  }
0x48: {  	[sflag:s31] =	ssyncpa.u1 $0x1  }
0x49: {  	p0 =	sne.s32 s0, $0x0;
	_ =	strace $0x90000047  }
0x4a: {  	s0 =	sadd.s32 @!p0 $0x100000, s1;
	[bflag:$0x2] =	sbarrier.arrive $0xFFFF  }
0x4b: {  	[sflag:s0] =	ssyncadd.tile.s32 @!p0 $0x1;
	_ =	shalt  }
.Lfunc_end1:
_tile_overlayer_lowered:
.L_overlay_start_2:
0x4c: {  	(tag) =	ssettag $0x2  }
0x4d: {  	s0 =	rddreg [dreg:$0x0];
	s2 =	stileid.u32  }
0x4e: {  	s1 =	rddreg [dreg:$0x1];
	p0 =	sne.s32 s2, $0x0  }
0x4f: {  	s3 =	rddreg [dreg:$0x2];
	[bflag:$0x3] =	sbarrier.arrive $0xFFFF;
	s2 =	simm.s32 @!p0 $0x1C01  }
0x50: {  	[timem:s3], [sflag:s2] =	dma.local @!p0 [hbm:s0], s1  }
0x51: {  	s0 =	simm.s32 @!p0 $0x1  }
0x52: {  	_ =	swait.ge @!p0 [sflag:s0], s1  }
0x53: {  	s1 =	ssub.s32 @!p0 $0x0, s1;
	[sflag:s0] =	ssyncset.done @!p0 $0x0  }
0x54: {  	[sflag:s0] =	ssyncadd.s32 @!p0 s1  }
0x55: {  	[bflag:$0x3] =	sbarrier.arrive $0xFFFF  }
0x56: {  	_ =	shalt  }

</sc_bundles>
